<compile_context>
chip_gen: v7x
topology: tpu7x:2x2x1
jax: 0.10.2.dev20260603
libtpu: 0.0.44.dev20260713+nightly
codegen_flags: <defaults>
</compile_context>

<pallas_src>
import functools
import jax
import jax.numpy as jnp
from jax import lax
from jax.experimental import pallas as pl
from jax.experimental.pallas import tpu as pltpu
from jax.experimental.pallas import tpu_sc as plsc



def _bcast_gather(v, idx):
    dn = lax.GatherDimensionNumbers(
        offset_dims=(), collapsed_slice_dims=(0,), start_index_map=(0,))
    return lax.gather(v, idx.reshape(idx.shape[0], 1), dn, slice_sizes=(1,),
                      mode=lax.GatherScatterMode.PROMISE_IN_BOUNDS)

_K = 256
_N = 4096
_BIG = 1e30
_NS = 16
_RB = _K // _NS
_B = 64
_NBLK = _N // _B
_STEPS = _NBLK + _NS - 1


def _sc_body(x_hbm, k_hbm, out_hbm, xv, kv, nbv, botv, shared):
    sid = lax.axis_index("s")
    iota = lax.iota(jnp.int32, _NS)
    shift_idx = jnp.maximum(iota - 1, 0)
    fifteens = jnp.full((_NS,), _NS - 1, jnp.int32)
    mask0 = iota == 0
    zeros = jnp.zeros((_NS,), jnp.float32)
    ones = zeros + 1.0
    selv = jnp.where(sid == 0, zeros, ones)
    top0 = jnp.where(sid == 0, zeros, zeros + _BIG)

    pltpu.sync_copy(k_hbm.at[pl.ds(sid * _RB, _RB)], kv)
    kvreg = kv[...]

    def step(s, carry):
        dprev, topv = carry
        b = jnp.clip(s - sid, 0, _NBLK - 1)
        jb = b * _B
        pltpu.sync_copy(x_hbm.at[pl.ds(jb, _B)], xv)
        pltpu.sync_copy(shared.at[(sid - 1) % _NS], nbv)
        plsc.subcore_barrier()

        isfirst = s == sid
        dprev = jnp.where(isfirst, zeros + _BIG, dprev)
        topv = jnp.where(isfirst, top0, topv)

        for g in range(_B // _NS):
            xg = xv[pl.ds(g * _NS, _NS)]
            ng = nbv[pl.ds(g * _NS, _NS)]

            def col(jr, c2, xg=xg, ng=ng):
                dprev, topv, bot_acc = c2
                jrv = jnp.full((_NS,), jr, jnp.int32)
                shp = _bcast_gather(dprev, shift_idx)
                shp = jnp.where(mask0, topv, shp)
                xjv = _bcast_gather(xg, jrv)
                dm1 = _bcast_gather(ng, jrv) * selv
                c = kvreg - xjv
                c = c * c
                sv = c + jnp.minimum(dprev, shp)
                cc = plsc.cumsum(c)
                e = -plsc.cummax(cc - sv)
                e = jnp.minimum(e, dm1)
                d = cc + e
                d15 = _bcast_gather(d, fifteens)
                bot_acc = jnp.where(iota == jr, d15, bot_acc)
                return d, dm1, bot_acc

            dprev, topv, bot_acc = lax.fori_loop(
                0, _NS, col, (dprev, topv, zeros))
            botv[pl.ds(g * _NS, _NS)] = bot_acc

        pltpu.sync_copy(botv, shared.at[sid])

        @pl.when(sid == _NS - 1)
        def _():
            pltpu.sync_copy(botv, out_hbm.at[pl.ds(jb, _B)])

        plsc.subcore_barrier()
        return dprev, topv

    lax.fori_loop(0, _STEPS, step, (zeros + _BIG, top0))


def _run(x, kern):
    f = functools.partial(
        pl.kernel,
        out_type=jax.ShapeDtypeStruct((_N,), jnp.float32),
        mesh=plsc.VectorSubcoreMesh(core_axis_name="c", subcore_axis_name="s"),
        compiler_params=pltpu.CompilerParams(needs_layout_passes=False),
        scratch_types=[
            pltpu.VMEM((_B,), jnp.float32),
            pltpu.VMEM((_RB,), jnp.float32),
            pltpu.VMEM((_B,), jnp.float32),
            pltpu.VMEM((_B,), jnp.float32),
            pltpu.VMEM_SHARED((_NS, _B), jnp.float32),
        ],
    )(_sc_body)
    return f(x, kern)


def kernel(x, kernel):
    return _run(x, kernel)

# --- scband reference (transcript-rebuilt; emitter-appended) ---
"""Pipeline reference for scband-dtw-spring-row-38448547233960 (READ-ONLY COPY).

The authoritative reference and input builder live on the scoring server;
editing this copy changes nothing except your own understanding.
"""

import jax, jax.numpy as jnp
import numpy as np

KERNEL_LEN = 256
INPUT_LEN = 4096
EPS = 0.5


def setup_inputs(seed: int = 0) -> dict:
    key = jax.random.key(seed)
    k1, k2 = jax.random.split(key)
    x = jax.random.normal(k1, (INPUT_LEN,), dtype=jnp.float32)
    kernel = jax.random.normal(k2, (KERNEL_LEN,), dtype=jnp.float32)
    return {"x": x, "kernel": kernel}


def _spring_row(kernel, x):
    # SPRING (open-begin subsequence) DTW dynamic program.
    # D[i, j] = (kernel[i] - x[j])**2 + min(D[i-1, j], D[i, j-1], D[i-1, j-1])
    # with virtual row D[-1, j] = 0 for all j (open start anywhere in x),
    # and virtual column D[i, -1] = +inf for i >= 0.
    # Output row: out[j] = D[K-1, j], the best subsequence match cost ending at j
    # (length == input_len == out_len, matching DTW_SPRING_ROW).
    BIG = jnp.float32(1e30)
    Kl = kernel.shape[0]

    def col_step(Dprev, xj):
        c = (kernel - xj) ** 2  # cost column, shape [K]
        # Dprev shifted down by one: element i holds D[i-1, j-1]; D[-1, j-1] = 0
        Dprev_shift = jnp.concatenate([jnp.zeros((1,), jnp.float32), Dprev[:-1]])

        def row_step(d_up, vals):
            ci, dp_i, dp_im1 = vals
            d = ci + jnp.minimum(jnp.minimum(dp_i, d_up), dp_im1)
            return d, d

        # carry init 0.0 encodes the virtual open-start row D[-1, j] = 0
        _, Dcur = jax.lax.scan(row_step, jnp.float32(0.0), (c, Dprev, Dprev_shift))
        return Dcur, Dcur[-1]

    D0 = jnp.full((Kl,), BIG, dtype=jnp.float32)
    _, out_row = jax.lax.scan(col_step, D0, x)
    return out_row


def reference(x, kernel):
    return _spring_row(kernel, x)

if __name__ == "__main__":
    import jax
    _d = setup_inputs()
    print(jax.jit(kernel)(*tuple(_d.values())))

</pallas_src>

<mosaic_0001>
#map = affine_map<(d0, d1) -> (0)>
module attributes {stable_mosaic.version = 14 : i64} {
  func.func @_sc_body(%arg0: i32, %arg1: i32, %arg2: memref<4096xf32, #tpu.memory_space<hbm>>, %arg3: memref<256xf32, #tpu.memory_space<hbm>>, %arg4: memref<4096xf32, #tpu.memory_space<hbm>>, %arg5: memref<64xf32, #tpu.memory_space<vmem>>, %arg6: memref<16xf32, #tpu.memory_space<vmem>>, %arg7: memref<64xf32, #tpu.memory_space<vmem>>, %arg8: memref<64xf32, #tpu.memory_space<vmem>>, %arg9: memref<16x64xf32, #tpu.memory_space<vmem_shared>>) attributes {dimension_semantics = [#tpu.dimension_semantics<core_parallel>, #tpu.dimension_semantics<subcore_parallel>], iteration_bounds = array<i64: 2, 16>, scalar_prefetch = 0 : i64, scratch_operands = 5 : i64, tpu.core_type = #tpu.core_type<sc_vector_subcore>, window_params = [{transform_indices = #map}, {transform_indices = #map}, {transform_indices = #map}]} {
    %iota3A = tpu.iota {dimensions = array<i32: 0>} : vector<16xi32>
    %sub3A = arith.constant 1 : i32
    %sub3A_0 = vector.broadcast %sub3A : i32 to vector<16xi32>
    %sub3A_1 = arith.subi %iota3A, %sub3A_0 : vector<16xi32>
    %max3A = arith.constant 0 : i32
    %max3A_2 = vector.broadcast %max3A : i32 to vector<16xi32>
    %max3A_3 = arith.maxsi %sub3A_1, %max3A_2 : vector<16xi32>
    %broadcast_in_dim3A = arith.constant 15 : i32
    %broadcast_in_dim3A_4 = vector.broadcast %broadcast_in_dim3A : i32 to vector<16xi32>
    %eq3A = arith.constant 0 : i32
    %eq3A_5 = vector.broadcast %eq3A : i32 to vector<16xi32>
    %eq3A_6 = arith.cmpi eq, %iota3A, %eq3A_5 : vector<16xi32>
    %broadcast_in_dim3A_7 = arith.constant 0.000000e+00 : f32
    %broadcast_in_dim3A_8 = vector.broadcast %broadcast_in_dim3A_7 : f32 to vector<16xf32>
    %add3A = arith.constant 1.000000e+00 : f32
    %add3A_9 = vector.broadcast %add3A : f32 to vector<16xf32>
    %add3A_10 = arith.addf %broadcast_in_dim3A_8, %add3A_9 : vector<16xf32>
    %eq3A_11 = arith.constant 0 : i32
    %eq3A_12 = arith.cmpi eq, %arg1, %eq3A_11 : i32
    %select_n3A = arith.select %eq3A_12, %broadcast_in_dim3A_8, %add3A_10 : vector<16xf32>
    %eq3A_13 = arith.constant 0 : i32
    %eq3A_14 = arith.cmpi eq, %arg1, %eq3A_13 : i32
    %add3A_15 = arith.constant 1.000000e+30 : f32
    %add3A_16 = vector.broadcast %add3A_15 : f32 to vector<16xf32>
    %add3A_17 = arith.addf %broadcast_in_dim3A_8, %add3A_16 : vector<16xf32>
    %select_n3A_18 = arith.select %eq3A_14, %broadcast_in_dim3A_8, %add3A_17 : vector<16xf32>
    %mul3A = arith.constant 16 : i32
    %mul3A_19 = arith.muli %arg1, %mul3A : i32
    "tpu.region"() ({
      %run_scoped3A = tpu.sem_alloc : memref<!tpu.dma_semaphore, #tpu.memory_space<semaphore_mem>>
      %dma_start3A = tpu.memref_slice %arg3[%mul3A_19] : memref<256xf32, #tpu.memory_space<hbm>> -> memref<16xf32, #tpu.memory_space<hbm>>
      %dma_start3A_29 = tpu.memref_slice %arg3[%mul3A_19] : memref<256xf32, #tpu.memory_space<hbm>> -> memref<16xf32, #tpu.memory_space<hbm>>
      tpu.enqueue_dma source(%dma_start3A_29 : memref<16xf32, #tpu.memory_space<hbm>>) target(%arg6 : memref<16xf32, #tpu.memory_space<vmem>>) target_semaphore(%run_scoped3A : memref<!tpu.dma_semaphore, #tpu.memory_space<semaphore_mem>>)
      %dma_wait3A = tpu.memref_slice %arg3[%mul3A_19] : memref<256xf32, #tpu.memory_space<hbm>> -> memref<16xf32, #tpu.memory_space<hbm>>
      %dma_wait3A_30 = tpu.memref_slice %arg3[%mul3A_19] : memref<256xf32, #tpu.memory_space<hbm>> -> memref<16xf32, #tpu.memory_space<hbm>>
      tpu.wait_dma2 semaphore(%run_scoped3A : memref<!tpu.dma_semaphore, #tpu.memory_space<semaphore_mem>>) src(%dma_wait3A_30 : memref<16xf32, #tpu.memory_space<hbm>>) dst(%arg6 : memref<16xf32, #tpu.memory_space<vmem>>)
      tpu.yield
    }) : () -> ()
    %get3A = arith.constant 0 : index
    %get3A_20 = tpu.vector_load %arg6[%get3A] {strides = array<i32>} : memref<16xf32, #tpu.memory_space<vmem>>, vector<16xf32>,
    %add3A_21 = arith.constant 1.000000e+30 : f32
    %add3A_22 = vector.broadcast %add3A_21 : f32 to vector<16xf32>
    %add3A_23 = arith.addf %broadcast_in_dim3A_8, %add3A_22 : vector<16xf32>
    %scan3A = arith.constant 0 : i32
    %scan3A_24 = arith.constant 79 : i32
    %scan3A_25 = arith.addi %scan3A, %scan3A_24 : i32
    %scan3A_26 = arith.constant 1 : i32
    %scan3A_27:2 = scf.for %scan3A_29 = %scan3A to %scan3A_25 step %scan3A_26 iter_args(%scan3A_30 = %add3A_23, %scan3A_31 = %select_n3A_18) -> (vector<16xf32>, vector<16xf32>)  : i32 {
      %sub3A_32 = arith.subi %scan3A_29, %arg1 : i32
      %jit3A = arith.constant 0 : i32
      %jit3A_33 = arith.constant 63 : i32
      %max3A_34 = arith.maxsi %jit3A, %sub3A_32 : i32
      %min3A = arith.minsi %jit3A_33, %max3A_34 : i32
      %mul3A_35 = arith.constant 64 : i32
      %mul3A_36 = arith.muli %min3A, %mul3A_35 : i32
      "tpu.region"() ({
        %run_scoped3A = tpu.sem_alloc : memref<!tpu.dma_semaphore, #tpu.memory_space<semaphore_mem>>
        %dma_start3A = tpu.memref_slice %arg2[%mul3A_36] : memref<4096xf32, #tpu.memory_space<hbm>> -> memref<64xf32, #tpu.memory_space<hbm>>
        %dma_start3A_108 = tpu.memref_slice %arg2[%mul3A_36] : memref<4096xf32, #tpu.memory_space<hbm>> -> memref<64xf32, #tpu.memory_space<hbm>>
        tpu.enqueue_dma source(%dma_start3A_108 : memref<64xf32, #tpu.memory_space<hbm>>) target(%arg5 : memref<64xf32, #tpu.memory_space<vmem>>) target_semaphore(%run_scoped3A : memref<!tpu.dma_semaphore, #tpu.memory_space<semaphore_mem>>)
        %dma_wait3A = tpu.memref_slice %arg2[%mul3A_36] : memref<4096xf32, #tpu.memory_space<hbm>> -> memref<64xf32, #tpu.memory_space<hbm>>
        %dma_wait3A_109 = tpu.memref_slice %arg2[%mul3A_36] : memref<4096xf32, #tpu.memory_space<hbm>> -> memref<64xf32, #tpu.memory_space<hbm>>
        tpu.wait_dma2 semaphore(%run_scoped3A : memref<!tpu.dma_semaphore, #tpu.memory_space<semaphore_mem>>) src(%dma_wait3A_109 : memref<64xf32, #tpu.memory_space<hbm>>) dst(%arg5 : memref<64xf32, #tpu.memory_space<vmem>>)
        tpu.yield
      }) : () -> ()
      %sub3A_37 = arith.constant 1 : i32
      %sub3A_38 = arith.subi %arg1, %sub3A_37 : i32
      %jit3A_39 = arith.constant 16 : i32
      %eq3A_40 = arith.constant 0 : i32
      %eq3A_41 = arith.cmpi eq, %jit3A_39, %eq3A_40 : i32
      %jit3A_42 = arith.constant 1 : i32
      %select_n3A_43 = arith.select %eq3A_41, %jit3A_42, %jit3A_39 : i32
      %rem3A = arith.remsi %sub3A_38, %select_n3A_43 : i32
      %ne3A = arith.constant 0 : i32
      %ne3A_44 = arith.cmpi ne, %rem3A, %ne3A : i32
      %lt3A = arith.constant 0 : i32
      %lt3A_45 = arith.cmpi slt, %rem3A, %lt3A : i32
      %lt3A_46 = arith.constant 0 : i32
      %lt3A_47 = arith.cmpi slt, %select_n3A_43, %lt3A_46 : i32
      %ne3A_48 = arith.xori %lt3A_45, %lt3A_47 : i1
      %and3A = arith.andi %ne3A_48, %ne3A_44 : i1
      %add3A_49 = arith.addi %rem3A, %select_n3A_43 : i32
      %select_n3A_50 = arith.select %and3A, %add3A_49, %rem3A : i32
      "tpu.region"() ({
        %run_scoped3A = tpu.sem_alloc : memref<!tpu.dma_semaphore, #tpu.memory_space<semaphore_mem>>
        %dma_start3A = arith.constant 0 : i32
        %dma_start3A_108 = tpu.memref_slice %arg9[%select_n3A_50, %dma_start3A] : memref<16x64xf32, #tpu.memory_space<vmem_shared>> -> memref<1x64xf32, #tpu.memory_space<vmem_shared>>
        %dma_start3A_109 = tpu.memref_squeeze %dma_start3A_108 : memref<1x64xf32, #tpu.memory_space<vmem_shared>> -> memref<64xf32, #tpu.memory_space<vmem_shared>>
        %dma_start3A_110 = arith.constant 0 : i32
        %dma_start3A_111 = tpu.memref_slice %arg9[%select_n3A_50, %dma_start3A_110] : memref<16x64xf32, #tpu.memory_space<vmem_shared>> -> memref<1x64xf32, #tpu.memory_space<vmem_shared>>
        %dma_start3A_112 = tpu.memref_squeeze %dma_start3A_111 : memref<1x64xf32, #tpu.memory_space<vmem_shared>> -> memref<64xf32, #tpu.memory_space<vmem_shared>>
        tpu.enqueue_dma source(%dma_start3A_112 : memref<64xf32, #tpu.memory_space<vmem_shared>>) target(%arg7 : memref<64xf32, #tpu.memory_space<vmem>>) target_semaphore(%run_scoped3A : memref<!tpu.dma_semaphore, #tpu.memory_space<semaphore_mem>>)
        %dma_wait3A = arith.constant 0 : i32
        %dma_wait3A_113 = tpu.memref_slice %arg9[%select_n3A_50, %dma_wait3A] : memref<16x64xf32, #tpu.memory_space<vmem_shared>> -> memref<1x64xf32, #tpu.memory_space<vmem_shared>>
        %dma_wait3A_114 = tpu.memref_squeeze %dma_wait3A_113 : memref<1x64xf32, #tpu.memory_space<vmem_shared>> -> memref<64xf32, #tpu.memory_space<vmem_shared>>
        %dma_wait3A_115 = arith.constant 0 : i32
        %dma_wait3A_116 = tpu.memref_slice %arg9[%select_n3A_50, %dma_wait3A_115] : memref<16x64xf32, #tpu.memory_space<vmem_shared>> -> memref<1x64xf32, #tpu.memory_space<vmem_shared>>
        %dma_wait3A_117 = tpu.memref_squeeze %dma_wait3A_116 : memref<1x64xf32, #tpu.memory_space<vmem_shared>> -> memref<64xf32, #tpu.memory_space<vmem_shared>>
        tpu.wait_dma2 semaphore(%run_scoped3A : memref<!tpu.dma_semaphore, #tpu.memory_space<semaphore_mem>>) src(%dma_wait3A_117 : memref<64xf32, #tpu.memory_space<vmem_shared>>) dst(%arg7 : memref<64xf32, #tpu.memory_space<vmem>>)
        tpu.yield
      }) : () -> ()
      %barrier3A = arith.constant 0 : index
      tpu.barrier barrier_id(%barrier3A)
      %eq3A_51 = arith.cmpi eq, %scan3A_29, %arg1 : i32
      %add3A_52 = arith.constant 1.000000e+30 : f32
      %add3A_53 = vector.broadcast %add3A_52 : f32 to vector<16xf32>
      %add3A_54 = arith.addf %broadcast_in_dim3A_8, %add3A_53 : vector<16xf32>
      %select_n3A_55 = arith.select %eq3A_51, %add3A_54, %scan3A_30 : vector<16xf32>
      %select_n3A_56 = arith.select %eq3A_51, %select_n3A_18, %scan3A_31 : vector<16xf32>
      %get3A_57 = arith.constant 0 : index
      %get3A_58 = tpu.vector_load %arg5[%get3A_57] {strides = array<i32>} : memref<64xf32, #tpu.memory_space<vmem>>, vector<16xf32>,
      %get3A_59 = arith.constant 0 : index
      %get3A_60 = tpu.vector_load %arg7[%get3A_59] {strides = array<i32>} : memref<64xf32, #tpu.memory_space<vmem>>, vector<16xf32>,
      %scan3A_61 = arith.constant 0 : i32
      %scan3A_62 = arith.constant 16 : i32
      %scan3A_63 = arith.addi %scan3A_61, %scan3A_62 : i32
      %scan3A_64 = arith.constant 1 : i32
      %scan3A_65:3 = scf.for %scan3A_108 = %scan3A_61 to %scan3A_63 step %scan3A_64 iter_args(%scan3A_109 = %select_n3A_55, %scan3A_110 = %select_n3A_56, %scan3A_111 = %broadcast_in_dim3A_8) -> (vector<16xf32>, vector<16xf32>, vector<16xf32>)  : i32 {
        %broadcast_in_dim3A_112 = vector.broadcast %scan3A_108 : i32 to vector<16xi32>
        %reshape3A = vector.shape_cast %max3A_3 : vector<16xi32> to vector<16x1xi32>
        %gather3A = vector.shape_cast %reshape3A : vector<16x1xi32> to vector<16xi32>
        %gather3A_113 = tpu.dynamic_gather %scan3A_109[%gather3A] in [0] : vector<16xf32>, vector<16xi32> -> vector<16xf32>
        %select_n3A_114 = arith.select %eq3A_6, %scan3A_110, %gather3A_113 : vector<16xi1>, vector<16xf32>
        %reshape3A_115 = vector.shape_cast %broadcast_in_dim3A_112 : vector<16xi32> to vector<16x1xi32>
        %gather3A_116 = vector.shape_cast %reshape3A_115 : vector<16x1xi32> to vector<16xi32>
        %gather3A_117 = tpu.dynamic_gather %get3A_58[%gather3A_116] in [0] : vector<16xf32>, vector<16xi32> -> vector<16xf32>
        %reshape3A_118 = vector.shape_cast %broadcast_in_dim3A_112 : vector<16xi32> to vector<16x1xi32>
        %gather3A_119 = vector.shape_cast %reshape3A_118 : vector<16x1xi32> to vector<16xi32>
        %gather3A_120 = tpu.dynamic_gather %get3A_60[%gather3A_119] in [0] : vector<16xf32>, vector<16xi32> -> vector<16xf32>
        %mul3A_121 = arith.mulf %gather3A_120, %select_n3A : vector<16xf32>
        %sub3A_122 = arith.subf %get3A_20, %gather3A_117 : vector<16xf32>
        %mul3A_123 = arith.mulf %sub3A_122, %sub3A_122 : vector<16xf32>
        %min3A_124 = arith.minimumf %scan3A_109, %select_n3A_114 : vector<16xf32>
        %add3A_125 = arith.addf %mul3A_123, %min3A_124 : vector<16xf32>
        %broadcast_in_dim3A_126 = arith.constant true
        %broadcast_in_dim3A_127 = vector.broadcast %broadcast_in_dim3A_126 : i1 to vector<16xi1>
        %masked_cumsum3A = tpu.scan <sum>, %mul3A_123 masked %broadcast_in_dim3A_127 : vector<16xf32>, vector<16xi1> -> vector<16xf32>
        %sub3A_128 = arith.subf %masked_cumsum3A, %add3A_125 : vector<16xf32>
        %broadcast_in_dim3A_129 = arith.constant true
        %broadcast_in_dim3A_130 = vector.broadcast %broadcast_in_dim3A_129 : i1 to vector<16xi1>
        %masked_cummax3A = tpu.scan <max>, %sub3A_128 masked %broadcast_in_dim3A_130 : vector<16xf32>, vector<16xi1> -> vector<16xf32>
        %neg3A = arith.constant 0.000000e+00 : f32
        %neg3A_131 = vector.broadcast %neg3A : f32 to vector<16xf32>
        %neg3A_132 = arith.subf %neg3A_131, %masked_cummax3A : vector<16xf32>
        %min3A_133 = arith.minimumf %neg3A_132, %mul3A_121 : vector<16xf32>
        %add3A_134 = arith.addf %masked_cumsum3A, %min3A_133 : vector<16xf32>
        %reshape3A_135 = vector.shape_cast %broadcast_in_dim3A_4 : vector<16xi32> to vector<16x1xi32>
        %gather3A_136 = vector.shape_cast %reshape3A_135 : vector<16x1xi32> to vector<16xi32>
        %gather3A_137 = tpu.dynamic_gather %add3A_134[%gather3A_136] in [0] : vector<16xf32>, vector<16xi32> -> vector<16xf32>
        %eq3A_138 = vector.broadcast %scan3A_108 : i32 to vector<16xi32>
        %eq3A_139 = arith.cmpi eq, %iota3A, %eq3A_138 : vector<16xi32>
        %select_n3A_140 = arith.select %eq3A_139, %gather3A_137, %scan3A_111 : vector<16xi1>, vector<16xf32>
        scf.yield %add3A_134, %mul3A_121, %select_n3A_140 : vector<16xf32>, vector<16xf32>, vector<16xf32>
      }
      %scan3A_66 = arith.constant 16 : i32
      %swap3A = arith.constant 0 : index
      %swap3A_67 = tpu.vector_load %arg8[%swap3A] {strides = array<i32>} : memref<64xf32, #tpu.memory_space<vmem>>, vector<16xf32>,
      tpu.vector_store %arg8[%swap3A], %scan3A_65#2 {strides = array<i32>} : memref<64xf32, #tpu.memory_space<vmem>>, vector<16xf32>,
      %get3A_68 = arith.constant 16 : index
      %get3A_69 = tpu.vector_load %arg5[%get3A_68] {strides = array<i32>} : memref<64xf32, #tpu.memory_space<vmem>>, vector<16xf32>,
      %get3A_70 = arith.constant 16 : index
      %get3A_71 = tpu.vector_load %arg7[%get3A_70] {strides = array<i32>} : memref<64xf32, #tpu.memory_space<vmem>>, vector<16xf32>,
      %scan3A_72 = arith.constant 0 : i32
      %scan3A_73 = arith.constant 16 : i32
      %scan3A_74 = arith.addi %scan3A_72, %scan3A_73 : i32
      %scan3A_75 = arith.constant 1 : i32
      %scan3A_76:3 = scf.for %scan3A_108 = %scan3A_72 to %scan3A_74 step %scan3A_75 iter_args(%scan3A_109 = %scan3A_65#0, %scan3A_110 = %scan3A_65#1, %scan3A_111 = %broadcast_in_dim3A_8) -> (vector<16xf32>, vector<16xf32>, vector<16xf32>)  : i32 {
        %broadcast_in_dim3A_112 = vector.broadcast %scan3A_108 : i32 to vector<16xi32>
        %reshape3A = vector.shape_cast %max3A_3 : vector<16xi32> to vector<16x1xi32>
        %gather3A = vector.shape_cast %reshape3A : vector<16x1xi32> to vector<16xi32>
        %gather3A_113 = tpu.dynamic_gather %scan3A_109[%gather3A] in [0] : vector<16xf32>, vector<16xi32> -> vector<16xf32>
        %select_n3A_114 = arith.select %eq3A_6, %scan3A_110, %gather3A_113 : vector<16xi1>, vector<16xf32>
        %reshape3A_115 = vector.shape_cast %broadcast_in_dim3A_112 : vector<16xi32> to vector<16x1xi32>
        %gather3A_116 = vector.shape_cast %reshape3A_115 : vector<16x1xi32> to vector<16xi32>
        %gather3A_117 = tpu.dynamic_gather %get3A_69[%gather3A_116] in [0] : vector<16xf32>, vector<16xi32> -> vector<16xf32>
        %reshape3A_118 = vector.shape_cast %broadcast_in_dim3A_112 : vector<16xi32> to vector<16x1xi32>
        %gather3A_119 = vector.shape_cast %reshape3A_118 : vector<16x1xi32> to vector<16xi32>
        %gather3A_120 = tpu.dynamic_gather %get3A_71[%gather3A_119] in [0] : vector<16xf32>, vector<16xi32> -> vector<16xf32>
        %mul3A_121 = arith.mulf %gather3A_120, %select_n3A : vector<16xf32>
        %sub3A_122 = arith.subf %get3A_20, %gather3A_117 : vector<16xf32>
        %mul3A_123 = arith.mulf %sub3A_122, %sub3A_122 : vector<16xf32>
        %min3A_124 = arith.minimumf %scan3A_109, %select_n3A_114 : vector<16xf32>
        %add3A_125 = arith.addf %mul3A_123, %min3A_124 : vector<16xf32>
        %broadcast_in_dim3A_126 = arith.constant true
        %broadcast_in_dim3A_127 = vector.broadcast %broadcast_in_dim3A_126 : i1 to vector<16xi1>
        %masked_cumsum3A = tpu.scan <sum>, %mul3A_123 masked %broadcast_in_dim3A_127 : vector<16xf32>, vector<16xi1> -> vector<16xf32>
        %sub3A_128 = arith.subf %masked_cumsum3A, %add3A_125 : vector<16xf32>
        %broadcast_in_dim3A_129 = arith.constant true
        %broadcast_in_dim3A_130 = vector.broadcast %broadcast_in_dim3A_129 : i1 to vector<16xi1>
        %masked_cummax3A = tpu.scan <max>, %sub3A_128 masked %broadcast_in_dim3A_130 : vector<16xf32>, vector<16xi1> -> vector<16xf32>
        %neg3A = arith.constant 0.000000e+00 : f32
        %neg3A_131 = vector.broadcast %neg3A : f32 to vector<16xf32>
        %neg3A_132 = arith.subf %neg3A_131, %masked_cummax3A : vector<16xf32>
        %min3A_133 = arith.minimumf %neg3A_132, %mul3A_121 : vector<16xf32>
        %add3A_134 = arith.addf %masked_cumsum3A, %min3A_133 : vector<16xf32>
        %reshape3A_135 = vector.shape_cast %broadcast_in_dim3A_4 : vector<16xi32> to vector<16x1xi32>
        %gather3A_136 = vector.shape_cast %reshape3A_135 : vector<16x1xi32> to vector<16xi32>
        %gather3A_137 = tpu.dynamic_gather %add3A_134[%gather3A_136] in [0] : vector<16xf32>, vector<16xi32> -> vector<16xf32>
        %eq3A_138 = vector.broadcast %scan3A_108 : i32 to vector<16xi32>
        %eq3A_139 = arith.cmpi eq, %iota3A, %eq3A_138 : vector<16xi32>
        %select_n3A_140 = arith.select %eq3A_139, %gather3A_137, %scan3A_111 : vector<16xi1>, vector<16xf32>
        scf.yield %add3A_134, %mul3A_121, %select_n3A_140 : vector<16xf32>, vector<16xf32>, vector<16xf32>
      }
      %scan3A_77 = arith.constant 16 : i32
      %swap3A_78 = arith.constant 16 : index
      %swap3A_79 = tpu.vector_load %arg8[%swap3A_78] {strides = array<i32>} : memref<64xf32, #tpu.memory_space<vmem>>, vector<16xf32>,
      tpu.vector_store %arg8[%swap3A_78], %scan3A_76#2 {strides = array<i32>} : memref<64xf32, #tpu.memory_space<vmem>>, vector<16xf32>,
      %get3A_80 = arith.constant 32 : index
      %get3A_81 = tpu.vector_load %arg5[%get3A_80] {strides = array<i32>} : memref<64xf32, #tpu.memory_space<vmem>>, vector<16xf32>,
      %get3A_82 = arith.constant 32 : index
      %get3A_83 = tpu.vector_load %arg7[%get3A_82] {strides = array<i32>} : memref<64xf32, #tpu.memory_space<vmem>>, vector<16xf32>,
      %scan3A_84 = arith.constant 0 : i32
      %scan3A_85 = arith.constant 16 : i32
      %scan3A_86 = arith.addi %scan3A_84, %scan3A_85 : i32
      %scan3A_87 = arith.constant 1 : i32
      %scan3A_88:3 = scf.for %scan3A_108 = %scan3A_84 to %scan3A_86 step %scan3A_87 iter_args(%scan3A_109 = %scan3A_76#0, %scan3A_110 = %scan3A_76#1, %scan3A_111 = %broadcast_in_dim3A_8) -> (vector<16xf32>, vector<16xf32>, vector<16xf32>)  : i32 {
        %broadcast_in_dim3A_112 = vector.broadcast %scan3A_108 : i32 to vector<16xi32>
        %reshape3A = vector.shape_cast %max3A_3 : vector<16xi32> to vector<16x1xi32>
        %gather3A = vector.shape_cast %reshape3A : vector<16x1xi32> to vector<16xi32>
        %gather3A_113 = tpu.dynamic_gather %scan3A_109[%gather3A] in [0] : vector<16xf32>, vector<16xi32> -> vector<16xf32>
        %select_n3A_114 = arith.select %eq3A_6, %scan3A_110, %gather3A_113 : vector<16xi1>, vector<16xf32>
        %reshape3A_115 = vector.shape_cast %broadcast_in_dim3A_112 : vector<16xi32> to vector<16x1xi32>
        %gather3A_116 = vector.shape_cast %reshape3A_115 : vector<16x1xi32> to vector<16xi32>
        %gather3A_117 = tpu.dynamic_gather %get3A_81[%gather3A_116] in [0] : vector<16xf32>, vector<16xi32> -> vector<16xf32>
        %reshape3A_118 = vector.shape_cast %broadcast_in_dim3A_112 : vector<16xi32> to vector<16x1xi32>
        %gather3A_119 = vector.shape_cast %reshape3A_118 : vector<16x1xi32> to vector<16xi32>
        %gather3A_120 = tpu.dynamic_gather %get3A_83[%gather3A_119] in [0] : vector<16xf32>, vector<16xi32> -> vector<16xf32>
        %mul3A_121 = arith.mulf %gather3A_120, %select_n3A : vector<16xf32>
        %sub3A_122 = arith.subf %get3A_20, %gather3A_117 : vector<16xf32>
        %mul3A_123 = arith.mulf %sub3A_122, %sub3A_122 : vector<16xf32>
        %min3A_124 = arith.minimumf %scan3A_109, %select_n3A_114 : vector<16xf32>
        %add3A_125 = arith.addf %mul3A_123, %min3A_124 : vector<16xf32>
        %broadcast_in_dim3A_126 = arith.constant true
        %broadcast_in_dim3A_127 = vector.broadcast %broadcast_in_dim3A_126 : i1 to vector<16xi1>
        %masked_cumsum3A = tpu.scan <sum>, %mul3A_123 masked %broadcast_in_dim3A_127 : vector<16xf32>, vector<16xi1> -> vector<16xf32>
        %sub3A_128 = arith.subf %masked_cumsum3A, %add3A_125 : vector<16xf32>
        %broadcast_in_dim3A_129 = arith.constant true
        %broadcast_in_dim3A_130 = vector.broadcast %broadcast_in_dim3A_129 : i1 to vector<16xi1>
        %masked_cummax3A = tpu.scan <max>, %sub3A_128 masked %broadcast_in_dim3A_130 : vector<16xf32>, vector<16xi1> -> vector<16xf32>
        %neg3A = arith.constant 0.000000e+00 : f32
        %neg3A_131 = vector.broadcast %neg3A : f32 to vector<16xf32>
        %neg3A_132 = arith.subf %neg3A_131, %masked_cummax3A : vector<16xf32>
        %min3A_133 = arith.minimumf %neg3A_132, %mul3A_121 : vector<16xf32>
        %add3A_134 = arith.addf %masked_cumsum3A, %min3A_133 : vector<16xf32>
        %reshape3A_135 = vector.shape_cast %broadcast_in_dim3A_4 : vector<16xi32> to vector<16x1xi32>
        %gather3A_136 = vector.shape_cast %reshape3A_135 : vector<16x1xi32> to vector<16xi32>
        %gather3A_137 = tpu.dynamic_gather %add3A_134[%gather3A_136] in [0] : vector<16xf32>, vector<16xi32> -> vector<16xf32>
        %eq3A_138 = vector.broadcast %scan3A_108 : i32 to vector<16xi32>
        %eq3A_139 = arith.cmpi eq, %iota3A, %eq3A_138 : vector<16xi32>
        %select_n3A_140 = arith.select %eq3A_139, %gather3A_137, %scan3A_111 : vector<16xi1>, vector<16xf32>
        scf.yield %add3A_134, %mul3A_121, %select_n3A_140 : vector<16xf32>, vector<16xf32>, vector<16xf32>
      }
      %scan3A_89 = arith.constant 16 : i32
      %swap3A_90 = arith.constant 32 : index
      %swap3A_91 = tpu.vector_load %arg8[%swap3A_90] {strides = array<i32>} : memref<64xf32, #tpu.memory_space<vmem>>, vector<16xf32>,
      tpu.vector_store %arg8[%swap3A_90], %scan3A_88#2 {strides = array<i32>} : memref<64xf32, #tpu.memory_space<vmem>>, vector<16xf32>,
      %get3A_92 = arith.constant 48 : index
      %get3A_93 = tpu.vector_load %arg5[%get3A_92] {strides = array<i32>} : memref<64xf32, #tpu.memory_space<vmem>>, vector<16xf32>,
      %get3A_94 = arith.constant 48 : index
      %get3A_95 = tpu.vector_load %arg7[%get3A_94] {strides = array<i32>} : memref<64xf32, #tpu.memory_space<vmem>>, vector<16xf32>,
      %scan3A_96 = arith.constant 0 : i32
      %scan3A_97 = arith.constant 16 : i32
      %scan3A_98 = arith.addi %scan3A_96, %scan3A_97 : i32
      %scan3A_99 = arith.constant 1 : i32
      %scan3A_100:3 = scf.for %scan3A_108 = %scan3A_96 to %scan3A_98 step %scan3A_99 iter_args(%scan3A_109 = %scan3A_88#0, %scan3A_110 = %scan3A_88#1, %scan3A_111 = %broadcast_in_dim3A_8) -> (vector<16xf32>, vector<16xf32>, vector<16xf32>)  : i32 {
        %broadcast_in_dim3A_112 = vector.broadcast %scan3A_108 : i32 to vector<16xi32>
        %reshape3A = vector.shape_cast %max3A_3 : vector<16xi32> to vector<16x1xi32>
        %gather3A = vector.shape_cast %reshape3A : vector<16x1xi32> to vector<16xi32>
        %gather3A_113 = tpu.dynamic_gather %scan3A_109[%gather3A] in [0] : vector<16xf32>, vector<16xi32> -> vector<16xf32>
        %select_n3A_114 = arith.select %eq3A_6, %scan3A_110, %gather3A_113 : vector<16xi1>, vector<16xf32>
        %reshape3A_115 = vector.shape_cast %broadcast_in_dim3A_112 : vector<16xi32> to vector<16x1xi32>
        %gather3A_116 = vector.shape_cast %reshape3A_115 : vector<16x1xi32> to vector<16xi32>
        %gather3A_117 = tpu.dynamic_gather %get3A_93[%gather3A_116] in [0] : vector<16xf32>, vector<16xi32> -> vector<16xf32>
        %reshape3A_118 = vector.shape_cast %broadcast_in_dim3A_112 : vector<16xi32> to vector<16x1xi32>
        %gather3A_119 = vector.shape_cast %reshape3A_118 : vector<16x1xi32> to vector<16xi32>
        %gather3A_120 = tpu.dynamic_gather %get3A_95[%gather3A_119] in [0] : vector<16xf32>, vector<16xi32> -> vector<16xf32>
        %mul3A_121 = arith.mulf %gather3A_120, %select_n3A : vector<16xf32>
        %sub3A_122 = arith.subf %get3A_20, %gather3A_117 : vector<16xf32>
        %mul3A_123 = arith.mulf %sub3A_122, %sub3A_122 : vector<16xf32>
        %min3A_124 = arith.minimumf %scan3A_109, %select_n3A_114 : vector<16xf32>
        %add3A_125 = arith.addf %mul3A_123, %min3A_124 : vector<16xf32>
        %broadcast_in_dim3A_126 = arith.constant true
        %broadcast_in_dim3A_127 = vector.broadcast %broadcast_in_dim3A_126 : i1 to vector<16xi1>
        %masked_cumsum3A = tpu.scan <sum>, %mul3A_123 masked %broadcast_in_dim3A_127 : vector<16xf32>, vector<16xi1> -> vector<16xf32>
        %sub3A_128 = arith.subf %masked_cumsum3A, %add3A_125 : vector<16xf32>
        %broadcast_in_dim3A_129 = arith.constant true
        %broadcast_in_dim3A_130 = vector.broadcast %broadcast_in_dim3A_129 : i1 to vector<16xi1>
        %masked_cummax3A = tpu.scan <max>, %sub3A_128 masked %broadcast_in_dim3A_130 : vector<16xf32>, vector<16xi1> -> vector<16xf32>
        %neg3A = arith.constant 0.000000e+00 : f32
        %neg3A_131 = vector.broadcast %neg3A : f32 to vector<16xf32>
        %neg3A_132 = arith.subf %neg3A_131, %masked_cummax3A : vector<16xf32>
        %min3A_133 = arith.minimumf %neg3A_132, %mul3A_121 : vector<16xf32>
        %add3A_134 = arith.addf %masked_cumsum3A, %min3A_133 : vector<16xf32>
        %reshape3A_135 = vector.shape_cast %broadcast_in_dim3A_4 : vector<16xi32> to vector<16x1xi32>
        %gather3A_136 = vector.shape_cast %reshape3A_135 : vector<16x1xi32> to vector<16xi32>
        %gather3A_137 = tpu.dynamic_gather %add3A_134[%gather3A_136] in [0] : vector<16xf32>, vector<16xi32> -> vector<16xf32>
        %eq3A_138 = vector.broadcast %scan3A_108 : i32 to vector<16xi32>
        %eq3A_139 = arith.cmpi eq, %iota3A, %eq3A_138 : vector<16xi32>
        %select_n3A_140 = arith.select %eq3A_139, %gather3A_137, %scan3A_111 : vector<16xi1>, vector<16xf32>
        scf.yield %add3A_134, %mul3A_121, %select_n3A_140 : vector<16xf32>, vector<16xf32>, vector<16xf32>
      }
      %scan3A_101 = arith.constant 16 : i32
      %swap3A_102 = arith.constant 48 : index
      %swap3A_103 = tpu.vector_load %arg8[%swap3A_102] {strides = array<i32>} : memref<64xf32, #tpu.memory_space<vmem>>, vector<16xf32>,
      tpu.vector_store %arg8[%swap3A_102], %scan3A_100#2 {strides = array<i32>} : memref<64xf32, #tpu.memory_space<vmem>>, vector<16xf32>,
      "tpu.region"() ({
        %run_scoped3A = tpu.sem_alloc : memref<!tpu.dma_semaphore, #tpu.memory_space<semaphore_mem>>
        %dma_start3A = arith.constant 0 : i32
        %dma_start3A_108 = tpu.memref_slice %arg9[%arg1, %dma_start3A] : memref<16x64xf32, #tpu.memory_space<vmem_shared>> -> memref<1x64xf32, #tpu.memory_space<vmem_shared>>
        %dma_start3A_109 = tpu.memref_squeeze %dma_start3A_108 : memref<1x64xf32, #tpu.memory_space<vmem_shared>> -> memref<64xf32, #tpu.memory_space<vmem_shared>>
        %dma_start3A_110 = arith.constant 0 : i32
        %dma_start3A_111 = tpu.memref_slice %arg9[%arg1, %dma_start3A_110] : memref<16x64xf32, #tpu.memory_space<vmem_shared>> -> memref<1x64xf32, #tpu.memory_space<vmem_shared>>
        %dma_start3A_112 = tpu.memref_squeeze %dma_start3A_111 : memref<1x64xf32, #tpu.memory_space<vmem_shared>> -> memref<64xf32, #tpu.memory_space<vmem_shared>>
        tpu.enqueue_dma source(%arg8 : memref<64xf32, #tpu.memory_space<vmem>>) target(%dma_start3A_112 : memref<64xf32, #tpu.memory_space<vmem_shared>>) target_semaphore(%run_scoped3A : memref<!tpu.dma_semaphore, #tpu.memory_space<semaphore_mem>>)
        %dma_wait3A = arith.constant 0 : i32
        %dma_wait3A_113 = tpu.memref_slice %arg9[%arg1, %dma_wait3A] : memref<16x64xf32, #tpu.memory_space<vmem_shared>> -> memref<1x64xf32, #tpu.memory_space<vmem_shared>>
        %dma_wait3A_114 = tpu.memref_squeeze %dma_wait3A_113 : memref<1x64xf32, #tpu.memory_space<vmem_shared>> -> memref<64xf32, #tpu.memory_space<vmem_shared>>
        %dma_wait3A_115 = arith.constant 0 : i32
        %dma_wait3A_116 = tpu.memref_slice %arg9[%arg1, %dma_wait3A_115] : memref<16x64xf32, #tpu.memory_space<vmem_shared>> -> memref<1x64xf32, #tpu.memory_space<vmem_shared>>
        %dma_wait3A_117 = tpu.memref_squeeze %dma_wait3A_116 : memref<1x64xf32, #tpu.memory_space<vmem_shared>> -> memref<64xf32, #tpu.memory_space<vmem_shared>>
        tpu.wait_dma2 semaphore(%run_scoped3A : memref<!tpu.dma_semaphore, #tpu.memory_space<semaphore_mem>>) src(%arg8 : memref<64xf32, #tpu.memory_space<vmem>>) dst(%dma_wait3A_117 : memref<64xf32, #tpu.memory_space<vmem_shared>>)
        tpu.yield
      }) : () -> ()
      %eq3A_104 = arith.constant 15 : i32
      %eq3A_105 = arith.cmpi eq, %arg1, %eq3A_104 : i32
      %convert_element_type3A = arith.extui %eq3A_105 : i1 to i32
      %cond3A = arith.constant 0 : i32
      %cond3A_106 = arith.cmpi ne, %convert_element_type3A, %cond3A : i32
      scf.if %cond3A_106 {
        "tpu.region"() ({
          %run_scoped3A = tpu.sem_alloc : memref<!tpu.dma_semaphore, #tpu.memory_space<semaphore_mem>>
          %dma_start3A = tpu.memref_slice %arg4[%mul3A_36] : memref<4096xf32, #tpu.memory_space<hbm>> -> memref<64xf32, #tpu.memory_space<hbm>>
          %dma_start3A_108 = tpu.memref_slice %arg4[%mul3A_36] : memref<4096xf32, #tpu.memory_space<hbm>> -> memref<64xf32, #tpu.memory_space<hbm>>
          tpu.enqueue_dma source(%arg8 : memref<64xf32, #tpu.memory_space<vmem>>) target(%dma_start3A_108 : memref<64xf32, #tpu.memory_space<hbm>>) target_semaphore(%run_scoped3A : memref<!tpu.dma_semaphore, #tpu.memory_space<semaphore_mem>>)
          %dma_wait3A = tpu.memref_slice %arg4[%mul3A_36] : memref<4096xf32, #tpu.memory_space<hbm>> -> memref<64xf32, #tpu.memory_space<hbm>>
          %dma_wait3A_109 = tpu.memref_slice %arg4[%mul3A_36] : memref<4096xf32, #tpu.memory_space<hbm>> -> memref<64xf32, #tpu.memory_space<hbm>>
          tpu.wait_dma2 semaphore(%run_scoped3A : memref<!tpu.dma_semaphore, #tpu.memory_space<semaphore_mem>>) src(%arg8 : memref<64xf32, #tpu.memory_space<vmem>>) dst(%dma_wait3A_109 : memref<64xf32, #tpu.memory_space<hbm>>)
          tpu.yield
        }) : () -> ()
      } else {
      }
      %barrier3A_107 = arith.constant 0 : index
      tpu.barrier barrier_id(%barrier3A_107)
      scf.yield %scan3A_100#0, %scan3A_100#1 : vector<16xf32>, vector<16xf32>
    }
    %scan3A_28 = arith.constant 79 : i32
    return
  }
}

</mosaic_0001>

<sc_bundles>
// kernel: kernel.4.cloned.1.call-start
scs
__scs_entry_jumppad:
0x0: {  	(pc) =	sbr.rel $0x88, $3  }
0x1: {  	(tag) =	ssettag $0x0;
	lr =	simm.s32 $0x1  }
0x2: {  	[smem:$0x3F9F] =	sst lr;
	_ =	strace $0xD0000000  }
0x3: {  	_ = 	snop  }
0x4: {  	_ = 	snop  }
0x5: {  	_ = 	snop  }
0x6: {  	_ = 	snop  }
0x7: {  	_ = 	snop  }
__scs_overlays_trampoline_lowered:
0x8: {  	[smem:$0x3FAE] =	sst s0  }
0x9: {  	[smem:$0x3FAF] =	sst s1  }
0xa: {  	[smem:$0x3FB0] =	sst s2  }
0xb: {  	[smem:$0x3FB1] =	sst s3  }
0xc: {  	[smem:$0x3FB2] =	sst s4  }
0xd: {  	[smem:$0x3FB3] =	sst s5  }
0xe: {  	[smem:$0x3FB4] =	sst s6  }
0xf: {  	[smem:$0x3FB5] =	sst s7  }
0x10: {  	[smem:$0x3FB6] =	sst s8  }
0x11: {  	[smem:$0x3FB7] =	sst s9;
	s0 =	simm.s32 @!p0 $0x0  }
0x12: {  	s1 =	sld [smem:$0x3F9D];
	s0 =	simm.s32 @p0 $0x1  }
0x13: {  	[smem:$0x3FB8] =	sst s0;
	s0 =	simm.s32 @!p1 $0x0  }
0x14: {  	s2 =	sld [smem:$0x3F9C];
	s0 =	simm.s32 @p1 $0x1  }
0x15: {  	[smem:$0x3FB9] =	sst s0;
	s0 =	simm.s32 @!p2 $0x0  }
0x16: {  	s3 =	sld [smem:$0x3FDB];
	s0 =	simm.s32 @p2 $0x1  }
0x17: {  	s4 =	simm.s32 $0x1BF5;
	[smem:$0x3FBB] =	sst s0  }
0x18: {  	s0 =	sld [smem:$0x3F9E];
	_ =	swait.ge [sflag:s4], $0x0  }
0x19: {  	s7 =	sld [smem:$0x3F9F]  }
0x1a: {  	s8 =	sadd.s32 $0xFFFFE003, lr  }
0x1b: {  	s9 =	sadd.s32 $0xFFFFFEF7, lr;
	s5 =	simm.s32 $0xFFFFFFFF;
	p2 =	slt.u32 s8, $0xFFFFF086  }
0x1c: {  	p1 =	slt.u32 s9, $0xF7A;
	s5 =	simm.s32 @!p2 $0x0  }
0x1d: {  	s5 =	simm.s32 @p1 $0x1;
	p0 =	seq.s32 s7, s2  }
0x1e: {  	s7 =	smul.u32 @!p0 $0xF7A, s2;
	p2 =	seq.s32 @!p0 s5, $0x0  }
0x1f: {  	s9 =	smul.u32 $0xF7A, s1;
	s8 =	simm.s32 @!p0 $0x1BF5;
	p2 =	por !p2, p0  }
0x20: {  	[sflag:s8] =	ssyncset.s32 @!p0 $0xFFFFF086;
	s6 =	sadd.s32 @!p0 s3, s7;
	s7 =	simm.s32 @!p0 $0x108  }
0x21: {  	s3 =	sadd.s32 s3, s9;
	s6 =	sadd.s32 @!p0 $0x88, s6;
	s7 =	simm.s32 @p2 $0x1082  }
0x22: {  	[simem:s7], [sflag:s8] =	dma.local @!p0 [hbm:s6], $0xF7A  }
0x23: {  	s9 =	sor.u32 $0xD0000000, s2;
	s6 =	simm.s32 $0x108;
	_ =	swait.ge @!p0 [sflag:s8], $0x0  }
0x24: {  	s3 =	sadd.s32 $0x88, s3;
	s6 =	simm.s32 @!p1 $0x1082;
	[sflag:s4] =	ssyncset.s32 $0xFFFFF086  }
0x25: {  	[simem:s6], [sflag:s4] =	dma.local [hbm:s3], $0xF7A  }
0x26: {  	[smem:$0x3F9F] =	sst s1;
	(tag) =	ssettag s2;
	_ =	strace s9  }
0x27: {  	s1 =	sld [smem:$0x3FAF]  }
0x28: {  	s2 =	sld [smem:$0x3FB0]  }
0x29: {  	s4 =	sld [smem:$0x3FB2]  }
0x2a: {  	p0 =	seq.s32 s5, $0x0;
	s5 =	sld [smem:$0x3FB3]  }
0x2b: {  	s6 =	sld [smem:$0x3FB4]  }
0x2c: {  	s7 =	sld [smem:$0x3FB5]  }
0x2d: {  	s3 =	simm.s32 $0x108;
	s8 =	sld [smem:$0x3FB6]  }
0x2e: {  	s3 =	simm.s32 @!p0 $0x1082;
	s9 =	sld [smem:$0x3FB7]  }
0x2f: {  	lr =	sadd.s32 s0, s3;
	s0 =	sld [smem:$0x3FAE]  }
0x30: {  	s3 =	sld [smem:$0x3FB1]  }
0x31: {  	[smem:$0x3FBA] =	sst s10  }
0x32: {  	s10 =	sld [smem:$0x3FB8];
	_ =	sdelay $0x3  }
0x33: {  	p0 =	seq.s32 s10, $0x1;
	s10 =	sld [smem:$0x3FBA];
	_ =	sdelay $0x3  }
0x34: {  	[smem:$0x3FBA] =	sst s10  }
0x35: {  	s10 =	sld [smem:$0x3FB9];
	_ =	sdelay $0x3  }
0x36: {  	p1 =	seq.s32 s10, $0x1;
	s10 =	sld [smem:$0x3FBA];
	_ =	sdelay $0x3  }
0x37: {  	[smem:$0x3FBA] =	sst s10  }
0x38: {  	s10 =	sld [smem:$0x3FBB]  }
0x39: {  	_ = 	snop;
	(pc) =	sbr.ind lr, $3  }
0x3a: {  	_ = 	snop  }
0x3b: {  	_ = 	snop  }
0x3c: {  	p2 =	seq.s32 s10, $0x1;
	s10 =	sld [smem:$0x3FBA]  }
0x3d: {  	_ =	shalt  }
0x3e: {  	_ =	shalt  }
0x3f: {  	_ =	shalt  }
0x40: {  	_ =	shalt  }
0x41: {  	_ =	shalt  }
0x42: {  	_ =	shalt  }
0x43: {  	_ =	shalt  }
0x44: {  	_ =	shalt  }
0x45: {  	_ =	shalt  }
0x46: {  	_ =	shalt  }
0x47: {  	_ =	shalt  }
0x48: {  	_ =	shalt  }
0x49: {  	_ =	shalt  }
0x4a: {  	_ =	shalt  }
0x4b: {  	_ =	shalt  }
0x4c: {  	_ =	shalt  }
0x4d: {  	_ =	shalt  }
0x4e: {  	_ =	shalt  }
0x4f: {  	_ =	shalt  }
0x50: {  	_ =	shalt  }
0x51: {  	_ =	shalt  }
0x52: {  	_ =	shalt  }
0x53: {  	_ =	shalt  }
0x54: {  	_ =	shalt  }
0x55: {  	_ =	shalt  }
0x56: {  	_ =	shalt  }
0x57: {  	_ =	shalt  }
0x58: {  	_ =	shalt  }
0x59: {  	_ =	shalt  }
0x5a: {  	_ =	shalt  }
0x5b: {  	_ =	shalt  }
0x5c: {  	_ =	shalt  }
0x5d: {  	_ =	shalt  }
0x5e: {  	_ =	shalt  }
0x5f: {  	_ =	shalt  }
0x60: {  	_ =	shalt  }
0x61: {  	_ =	shalt  }
0x62: {  	_ =	shalt  }
0x63: {  	_ =	shalt  }
0x64: {  	_ =	shalt  }
0x65: {  	_ =	shalt  }
0x66: {  	_ =	shalt  }
0x67: {  	_ =	shalt  }
0x68: {  	_ =	shalt  }
0x69: {  	_ =	shalt  }
0x6a: {  	_ =	shalt  }
0x6b: {  	_ =	shalt  }
0x6c: {  	_ =	shalt  }
0x6d: {  	_ =	shalt  }
0x6e: {  	_ =	shalt  }
0x6f: {  	_ =	shalt  }
0x70: {  	_ =	shalt  }
0x71: {  	_ =	shalt  }
0x72: {  	_ =	shalt  }
0x73: {  	_ =	shalt  }
0x74: {  	_ =	shalt  }
0x75: {  	_ =	shalt  }
0x76: {  	_ =	shalt  }
0x77: {  	_ =	shalt  }
0x78: {  	_ =	shalt  }
0x79: {  	_ =	shalt  }
0x7a: {  	_ =	shalt  }
0x7b: {  	_ =	shalt  }
0x7c: {  	_ =	shalt  }
0x7d: {  	_ =	shalt  }
0x7e: {  	_ =	shalt  }
0x7f: {  	_ =	shalt  }
0x80: {  	_ =	shalt  }
0x81: {  	_ =	shalt  }
0x82: {  	_ =	shalt  }
0x83: {  	_ =	shalt  }
0x84: {  	_ =	shalt  }
0x85: {  	_ =	shalt  }
0x86: {  	_ =	shalt  }
0x87: {  	_ =	shalt  }
.Lfunc_end0:
.L_simem_size_0:
called_computation_lowered:
.L_overlay_start_0:
0x88: {  	s2 =	sld [smem:$0x3FD9]  }
0x89: {  	s3 =	sld [smem:$0x3FFE];
	_ =	sdelay $0x1  }
0x8a: {  	s1 =	srdreg.scid  }
0x8b: {  	s0 =	sand.u32 $0x1, s1  }
0x8c: {  	s18 =	sshll.u32 s0, $0xA;
	s2 =	sadd.s32 s3, s2  }
0x8d: {  	s2 =	sadd.s32 s2, s18  }
0x8e: {  	[smem:$0x3FC6] =	sst s2  }
0x8f: {  	_ = 	snop  }
0x90: {  	s2 =	sld [smem:$0x3FC9]  }
0x91: {  	s19 =	sld [smem:$0x3FC8]  }
0x92: {  	s4 =	sld [smem:$0x3FD0];
	(tm) =	ssettm $0x1  }
0x93: {  	s5 =	sld [smem:$0x3FFB];
	_ =	sdelay $0x3  }
0x94: {  	_ =	strace s5  }
0x95: {  	s5 =	sld [smem:$0x3FFC];
	_ =	sdelay $0x3  }
0x96: {  	_ =	strace s5  }
0x97: {  	s5 =	sld [smem:$0x3FFD];
	_ =	sdelay $0x3  }
0x98: {  	_ =	strace s5  }
0x99: {  	_ =	strace $0x8FFFFFFF  }
0x9a: {  	s20 =	sld [smem:$0x3FDB];
	_ =	sdelay $0x1  }
0x9b: {  	s6 =	simm.s32 $_scs_section_size  }
0x9c: {  	s7 =	simm.s32 $_size__tile_overlayer_lowered;
	s8 =	simm.s32 $_tile_overlayer_lowered  }
0x9d: {  	s23 =	simm.s32 $0x1BFF;
	s22 =	sshll.u32 s8, $0x1;
	s5 =	sadd.s32 s6, s20  }
0x9e: {  	s9 =	simm.s32 $0x0;
	s21 =	sshll.u32 s7, $0x1;
	s7 =	sadd.s32 s22, s5  }
0x9f: {  	[timem:s9], [sflag:s23] =	dma.local [hbm:s7], s21  }
0xa0: {  	_ =	swait.ge [sflag:s23], s21  }
0xa1: {  	s6 =	ssub.s32 $0x0, s21;
	[sflag:s23] =	ssyncset.done $0x0  }
0xa2: {  	[sflag:s23] =	ssyncadd.s32 s6;
	_ =	sdelay $0x1  }
0xa3: {  	s24 =	simm.s32 $0x1B8B  }
0xa4: {  	_ =	swait.ge [sflag:s24], $0x1  }
0xa5: {  	[sflag:s24] =	ssyncset.done $0x0  }
0xa6: {  	s25 =	simm.s32 $0x1B8E;
	[sflag:s24] =	ssyncadd.s32 $0xFFFFFFFF  }
0xa7: {  	s26 =	simm.s32 $execute0_lowered;
	[smem:$0x3FD2] =	sst s25  }
0xa8: {  	s6 =	sshll.u32 s26, $0x1;
	_ =	strace $0x80000046;
	[dreg:$0x1] =	wrdreg $0xFFFFFFFF  }
0xa9: {  	s28 =	simm.s32 $_size_execute0_lowered;
	s5 =	sadd.s32 s5, s6;
	[dreg:$0x0] =	wrdreg $0x0  }
0xaa: {  	s6 =	sshll.u32 s28, $0x1;
	[dreg:$0x2] =	wrdreg s5  }
0xab: {  	[dreg:$0x3] =	wrdreg s6  }
0xac: {  	[dreg:$0x4] =	wrdreg $0xC0  }
0xad: {  	_ =	task [dreg:s9], $0x5FFFF  }
0xae: {  	[dreg:$0x1] =	wrdreg $0xFFFFFFFF  }
0xaf: {  	[dreg:$0x0] =	wrdreg $0x60  }
0xb0: {  	[dreg:$0x2] =	wrdreg s2  }
0xb1: {  	[dreg:$0x3] =	wrdreg s19  }
0xb2: {  	[dreg:$0x4] =	wrdreg s4  }
0xb3: {  	[dreg:$0x5] =	wrdreg $0x2000  }
0xb4: {  	[dreg:$0x6] =	wrdreg $0x9  }
0xb5: {  	_ =	task.clear_ibuf [dreg:s9], $0x7FFFF;
	_ =	strace $0x90000046  }
0xb6: {  	s29 =	simm.s32 $0x9;
	_ =	strace $0x80000048  }
0xb7: {  	_ =	swait.ge [sflag:s29], $0x1  }
0xb8: {  	[sflag:s29] =	ssyncadd.s32 $0xFFFFFFFF  }
0xb9: {  	_ =	strace $0x90000048  }
0xba: {  	_ =	sfence  }
0xbb: {  	s30 =	sld [smem:$0x0];
	_ =	sdelay $0x2  }
0xbc: {  	s31 =	sshll.u32 s1, $0xD;
	s1 =	sshrl.u32 s1, $0x2  }
0xbd: {  	s3 =	sand.u32 $0x4000, s31;
	s1 =	sadd.s32 s1, s30  }
0xbe: {  	s0 =	sor.u32 s3, s0;
	s1 =	sshll.u32 s1, $0x11  }
0xbf: {  	s0 =	sor.u32 s1, s0  }
0xc0: {  	s0 =	sadd.s32 $0x8F2B, s0  }
0xc1: {  	[sflag:s0] =	ssyncadd.remote.s32 $0x1  }
0xc2: {  	_ =	sfence.sel $0xFFFF  }
0xc3: {  	[dreg:$0x0] =	wrdreg $0xFFFFFFFF;
	(pc) =	sbr.abs _section_cstart, $3  }
0xc4: {  	[dreg:$0x1] =	wrdreg $0xFFFFFFFF  }
0xc5: {  	_ =	task.clear_ibuf [dreg:s9], $0x2FFFF;
	_ =	strace $0x9FFFFFFF  }
0xc6: {  	(tm) =	ssettm $0x7FFFFFFF  }
0xc7: {  	_ =	shalt  }
tec
execute0_lowered:
.L_overlay_start_1:
0x0: {  	(tag) =	ssettag $0x1  }
0x1: {  	s1 =	rddreg [dreg:$0x0]  }
0x2: {  	s5 =	rddreg [dreg:$0x1]  }
0x3: {  	s2 =	rddreg [dreg:$0x2]  }
0x4: {  	s7 =	rddreg [dreg:$0x3];
	s4 =	srdreg.scid  }
0x5: {  	s0 =	rddreg [dreg:$0x4];
	s3 =	simm.s32 $0x0;
	s11 =	simm.s32 $0x100  }
0x6: {  	v0 =	vimm.s32 $0xEDCBA987;
	s12 =	simm.s32 $0x180;
	s13 =	simm.s32 $0x0;
	s6 =	sand.u32 $0x1, s4  }
0x7: {  	v1 =	vimm.s32 $0x65432100;
	[smem:$0x7FF] =	sst s3;
	s4 =	stileid.u32;
	v0 =	vunpack.c.l.s4.s8 v0;
	s6 =	ssub.s32 $0x2, s6  }
0x8: {  	v1 =	vunpack.c.l.s4.s8 v1;
	_ =	strace $0x80000047;
	s9 =	sshll.u32 s4, $0x7;
	s30 =	sshll.u32 s4, $0x1  }
0x9: {  	p0 =	seq.s32 s4, $0x0;
	s8 =	sshrl.u32 s6, $0x1;
	s10 =	sadd.s32 $0x780, s9;
	v0 =	vunpack.c.0.s8.s32 v0  }
0xa: {  	vm0 =	vmmov $0x1;
	s5 =	sadd.s32 s5, s30;
	v2 =	vunpack.c.0.s8.s32 v1;
	v1 =	vimm.f32 $0.0e+00;
	s8 =	ssub.s32 s6, s8;
	s31 =	sand.u32 $0x780, s10  }
0xb: {  	v4 =	vlaneseq.u32;
	s10 =	simm.s32 $0x1;
	s6 =	sadd.s32 s31, s7;
	s7 =	sadd.s32 s9, s7;
	v3 =	vand.u32 $0xF, v0;
	v0 =	vpsel !p0, $0x3F800000, v1  }
0xc: {  	s8 =	smax.u32 s8, $0x1;
	v1 =	vpsel !p0, $0x7149F2CA, v1;
	s9 =	simm.s32 $0x80;
	p0 =	sne.s32 s4, $0xF;
	v2 =	vcombine.low v2, v3;
	v3 =	vimm.s32 $0xF  }
.LBB2_1:
0xd: {  	[tilespmem:s9], [sflag:$0x1] =	stream.linear.gather [hbm4b:s5+s3], $0x10, $0x38;
	[tilespmem:$0x240] =	vst v63  }
0xe: {  	_ =	swait.ge [sflag:s10], $0x10  }
0xf: {  	[sflag:s10] =	ssyncset.done $0x0  }
0x10: {  	[sflag:s10] =	ssyncadd.s32 $0xFFFFFFF0  }
0x11: {  	v5 =	vld [tilespmem:$0x80]  }
0x12: {  	v10 =	vimm.f32 $1.000000020e+30;
	v9 =	vmov v1;
	s14 =	simm.s32 $0x0  }
.LBB2_2:
0x13: {  	s15 =	ssub.s32 s14, s4  }
0x14: {  	p1 =	sgt.s32 s15, $0x0  }
0x15: {  	s15 =	simm.s32 @!p1 $0x0  }
0x16: {  	s15 =	smin.u32 s15, $0x3F  }
0x17: {  	s15 =	sshll.u32 s15, $0x3  }
0x18: {  	s17 =	simm.s32 $0x0;
	s16 =	sadd.s32 s1, s15  }
0x19: {  	[tilespmem:s17], [sflag:$0x1] =	stream.linear.gather [hbm4b:s16+s17], $0x40, $0x38;
	[tilespmem:$0x240] =	vst v63  }
0x1a: {  	_ =	swait.ge [sflag:s10], $0x40  }
0x1b: {  	[sflag:s10] =	ssyncset.done $0x0  }
0x1c: {  	[sflag:s10] =	ssyncadd.s32 $0xFFFFFFC0  }
0x1d: {  	[tilespmem:s11], [sflag:$0x1] =	stream.linear.gather [spmem:s6], $0x80, $0x38;
	[tilespmem:$0x240] =	vst v63  }
0x1e: {  	_ =	swait.ge [sflag:s10], $0x80  }
0x1f: {  	[sflag:s10] =	ssyncset.done $0x0  }
0x20: {  	[sflag:s10] =	ssyncadd.s32 $0xFFFFFF80  }
0x21: {  	[bflag:$0x0] =	sbarrier.arrive $0xFFFF  }
0x22: {  	v6 =	vld [tilespmem:$0x0];
	_ =	sdelay $0x3  }
0x23: {  	v8 =	vmov s17  }
0x24: {  	v7 =	vperm.xlane v6, v8;
	_ =	sdelay $0x1  }
0x25: {  	v7 =	vsub.f32 v5, v7;
	_ =	sdelay $0x1  }
0x26: {  	v7 =	vmul.f32 v7, v7;
	_ =	sdelay $0x1  }
0x27: {  	(xrf2) =	vadd.scan.msk.f32 $0xffff, v7;
	_ =	sdelay $0x2  }
0x28: {  	p6 =	seq.s32 s14, s4  }
0x29: {  	v10 =	vpsel p6, $0x7149F2CA, v10  }
0x2a: {  	v11 =	vperm.xlane v10, v2  }
0x2b: {  	v9 =	vpsel p6, v1, v9  }
0x2c: {  	v9 =	vsel vm0, v9, v11  }
0x2d: {  	v9 =	vmin.f32 v10, v9  }
0x2e: {  	v7 =	vadd.f32 v7, v9  }
0x2f: {  	v11, _, _ =	vpop (xrf2)  }
0x30: {  	vm1 =	veq.s32 v8, v4;
	v12 =	vsub.f32 v11, v7  }
0x31: {  	vm1 =	vmmov vm1;
	s16 =	simm.s32 $0x1;
	v10 =	vld [tilespmem:$0x100];
	v9 =	vimm.f32 $0.0e+00  }
.LBB2_3:
0x32: {  	v7 =	vmov s16;
	p1 =	sne.s32 s16, $0xF;
	(xrf0) =	vmax.scan.msk.f32 $0xffff, v12  }
0x33: {  	v12 =	vperm.xlane v6, v7;
	vm2 =	veq.s32 v7, v4;
	_ =	sdelay $0x1  }
0x34: {  	v12 =	vsub.f32 v5, v12;
	_ =	sdelay $0x1  }
0x35: {  	v13 =	vperm.xlane v10, v8;
	v8 =	vmov v7;
	v12 =	vmul.f32 v12, v12  }
0x36: {  	v7, _, _ =	vpop (xrf0)  }
0x37: {  	v13 =	vmul.f32 v13, v0;
	(xrf2) =	vadd.scan.msk.f32 $0xffff, v12;
	v7 =	vsub.f32 $0.0e+00, v7;
	_ =	sdelay $0x1  }
0x38: {  	v7 =	vmin.f32 v7, v13  }
0x39: {  	v7 =	vadd.f32 v7, v11;
	_ =	sdelay $0x1  }
0x3a: {  	v11 =	vperm.xlane v7, v2;
	v14 =	vperm.xlane v7, v3;
	_ =	sdelay $0x1  }
0x3b: {  	v11 =	vsel vm0, v13, v11;
	v9 =	vsel vm1, v14, v9;
	vm1 =	vmmov vm2  }
.Ltmp0:
0x3c: {  	v7 =	vmin.f32 v7, v11;
	(pc) =	sbr.rel @p1 .LBB2_3-.Ltmp0, $4  }
0x3d: {  	v7 =	vadd.f32 v12, v7  }
0x3e: {  	v11, _, _ =	vpop (xrf2)  }
0x3f: {  	v12 =	vsub.f32 v11, v7  }
0x40: {  	s16 =	sadd.s32 $0x1, s16  }
0x41: {  	v7 =	vld [tilespmem:$0x10];
	_ =	sdelay $0x2  }
0x42: {  	s16 =	simm.s32 $0x0  }
0x43: {  	v6 =	vmov s16  }
0x44: {  	(xrf0) =	vmax.scan.msk.f32 $0xffff, v12;
	v12 =	vperm.xlane v7, v6;
	_ =	sdelay $0x1  }
0x45: {  	v12 =	vsub.f32 v5, v12;
	_ =	sdelay $0x2  }
0x46: {  	v8 =	vperm.xlane v10, v8;
	v10 =	vmul.f32 v12, v12  }
0x47: {  	v12, _, _ =	vpop (xrf0)  }
0x48: {  	v8 =	vmul.f32 v8, v0;
	(xrf2) =	vadd.scan.msk.f32 $0xffff, v10;
	v12 =	vsub.f32 $0.0e+00, v12;
	_ =	sdelay $0x1  }
0x49: {  	v12 =	vmin.f32 v12, v8  }
0x4a: {  	v11 =	vadd.f32 v12, v11;
	_ =	sdelay $0x1  }
0x4b: {  	v12 =	vperm.xlane v11, v2;
	_ =	sdelay $0x1  }
0x4c: {  	v8 =	vsel vm0, v8, v12  }
0x4d: {  	v8 =	vmin.f32 v11, v8  }
0x4e: {  	v12 =	vperm.xlane v11, v3;
	v8 =	vadd.f32 v10, v8  }
0x4f: {  	v11, _, _ =	vpop (xrf2)  }
0x50: {  	v9 =	vsel vm1, v12, v9;
	vm1 =	veq.s32 v6, v4;
	v12 =	vsub.f32 v11, v8  }
0x51: {  	s16 =	simm.s32 $0x1;
	v10 =	vld [tilespmem:$0x110];
	[tilespmem:$0x180] =	vst v9;
	v9 =	vimm.f32 $0.0e+00;
	vm1 =	vmmov vm1  }
.LBB2_5:
0x52: {  	v8 =	vmov s16;
	p1 =	sne.s32 s16, $0xF;
	(xrf0) =	vmax.scan.msk.f32 $0xffff, v12  }
0x53: {  	v12 =	vperm.xlane v7, v8;
	vm2 =	veq.s32 v8, v4;
	_ =	sdelay $0x1  }
0x54: {  	v12 =	vsub.f32 v5, v12;
	_ =	sdelay $0x1  }
0x55: {  	v13 =	vperm.xlane v10, v6;
	v6 =	vmov v8;
	v12 =	vmul.f32 v12, v12  }
0x56: {  	v8, _, _ =	vpop (xrf0)  }
0x57: {  	v13 =	vmul.f32 v13, v0;
	(xrf2) =	vadd.scan.msk.f32 $0xffff, v12;
	v8 =	vsub.f32 $0.0e+00, v8;
	_ =	sdelay $0x1  }
0x58: {  	v8 =	vmin.f32 v8, v13  }
0x59: {  	v8 =	vadd.f32 v8, v11;
	_ =	sdelay $0x1  }
0x5a: {  	v11 =	vperm.xlane v8, v2;
	v14 =	vperm.xlane v8, v3;
	_ =	sdelay $0x1  }
0x5b: {  	v11 =	vsel vm0, v13, v11;
	v9 =	vsel vm1, v14, v9;
	vm1 =	vmmov vm2  }
.Ltmp1:
0x5c: {  	v8 =	vmin.f32 v8, v11;
	(pc) =	sbr.rel @p1 .LBB2_5-.Ltmp1, $4  }
0x5d: {  	v8 =	vadd.f32 v12, v8  }
0x5e: {  	v11, _, _ =	vpop (xrf2)  }
0x5f: {  	v12 =	vsub.f32 v11, v8  }
0x60: {  	s16 =	sadd.s32 $0x1, s16  }
0x61: {  	v8 =	vld [tilespmem:$0x20];
	_ =	sdelay $0x2  }
0x62: {  	s16 =	simm.s32 $0x0  }
0x63: {  	v7 =	vmov s16  }
0x64: {  	(xrf0) =	vmax.scan.msk.f32 $0xffff, v12;
	v12 =	vperm.xlane v8, v7;
	_ =	sdelay $0x1  }
0x65: {  	v12 =	vsub.f32 v5, v12;
	_ =	sdelay $0x2  }
0x66: {  	v6 =	vperm.xlane v10, v6;
	v10 =	vmul.f32 v12, v12  }
0x67: {  	v12, _, _ =	vpop (xrf0)  }
0x68: {  	v6 =	vmul.f32 v6, v0;
	(xrf2) =	vadd.scan.msk.f32 $0xffff, v10;
	v12 =	vsub.f32 $0.0e+00, v12;
	_ =	sdelay $0x1  }
0x69: {  	v12 =	vmin.f32 v12, v6  }
0x6a: {  	v11 =	vadd.f32 v12, v11;
	_ =	sdelay $0x1  }
0x6b: {  	v12 =	vperm.xlane v11, v2;
	_ =	sdelay $0x1  }
0x6c: {  	v6 =	vsel vm0, v6, v12  }
0x6d: {  	v6 =	vmin.f32 v11, v6  }
0x6e: {  	v12 =	vperm.xlane v11, v3;
	v6 =	vadd.f32 v10, v6  }
0x6f: {  	v11, _, _ =	vpop (xrf2)  }
0x70: {  	v9 =	vsel vm1, v12, v9;
	vm1 =	veq.s32 v7, v4;
	v12 =	vsub.f32 v11, v6  }
0x71: {  	s16 =	simm.s32 $0x1;
	v10 =	vld [tilespmem:$0x120];
	[tilespmem:$0x190] =	vst v9;
	v9 =	vimm.f32 $0.0e+00;
	vm1 =	vmmov vm1  }
.LBB2_7:
0x72: {  	v6 =	vmov s16;
	p1 =	sne.s32 s16, $0xF;
	(xrf0) =	vmax.scan.msk.f32 $0xffff, v12  }
0x73: {  	v12 =	vperm.xlane v8, v6;
	vm2 =	veq.s32 v6, v4;
	_ =	sdelay $0x1  }
0x74: {  	v12 =	vsub.f32 v5, v12;
	_ =	sdelay $0x1  }
0x75: {  	v13 =	vperm.xlane v10, v7;
	v7 =	vmov v6;
	v12 =	vmul.f32 v12, v12  }
0x76: {  	v6, _, _ =	vpop (xrf0)  }
0x77: {  	v13 =	vmul.f32 v13, v0;
	(xrf2) =	vadd.scan.msk.f32 $0xffff, v12;
	v6 =	vsub.f32 $0.0e+00, v6;
	_ =	sdelay $0x1  }
0x78: {  	v6 =	vmin.f32 v6, v13  }
0x79: {  	v6 =	vadd.f32 v6, v11;
	_ =	sdelay $0x1  }
0x7a: {  	v11 =	vperm.xlane v6, v2;
	v14 =	vperm.xlane v6, v3;
	_ =	sdelay $0x1  }
0x7b: {  	v11 =	vsel vm0, v13, v11;
	v9 =	vsel vm1, v14, v9;
	vm1 =	vmmov vm2  }
.Ltmp2:
0x7c: {  	v6 =	vmin.f32 v6, v11;
	(pc) =	sbr.rel @p1 .LBB2_7-.Ltmp2, $4  }
0x7d: {  	v6 =	vadd.f32 v12, v6  }
0x7e: {  	v11, _, _ =	vpop (xrf2)  }
0x7f: {  	v12 =	vsub.f32 v11, v6  }
0x80: {  	s16 =	sadd.s32 $0x1, s16  }
0x81: {  	v6 =	vld [tilespmem:$0x30];
	_ =	sdelay $0x2  }
0x82: {  	s16 =	simm.s32 $0x0  }
0x83: {  	(xrf0) =	vmax.scan.msk.f32 $0xffff, v12;
	v8 =	vmov s16  }
0x84: {  	v61 =	vperm.xlane v6, v8;
	_ =	sdelay $0x1  }
0x85: {  	v12 =	vsub.f32 v5, v61;
	_ =	sdelay $0x1  }
0x86: {  	v7 =	vperm.xlane v10, v7;
	v10 =	vmul.f32 v12, v12  }
0x87: {  	v62, _, _ =	vpop (xrf0)  }
0x88: {  	v7 =	vmul.f32 v7, v0;
	v12 =	vsub.f32 $0.0e+00, v62;
	(xrf2) =	vadd.scan.msk.f32 $0xffff, v10;
	_ =	sdelay $0x1  }
0x89: {  	v12 =	vmin.f32 v12, v7  }
0x8a: {  	v11 =	vadd.f32 v12, v11;
	_ =	sdelay $0x1  }
0x8b: {  	v12 =	vperm.xlane v11, v2;
	_ =	sdelay $0x1  }
0x8c: {  	v7 =	vsel vm0, v7, v12  }
0x8d: {  	v7 =	vmin.f32 v11, v7  }
0x8e: {  	v63 =	vperm.xlane v11, v3;
	v11 =	vadd.f32 v10, v7  }
0x8f: {  	v10, _, _ =	vpop (xrf2)  }
0x90: {  	v7 =	vsel vm1, v63, v9;
	vm1 =	veq.s32 v8, v4;
	v11 =	vsub.f32 v10, v11  }
0x91: {  	s16 =	simm.s32 $0x1;
	v9 =	vld [tilespmem:$0x130];
	[tilespmem:$0x1A0] =	vst v7;
	v7 =	vimm.f32 $0.0e+00;
	vm1 =	vmmov vm1  }
.LBB2_9:
0x92: {  	v12 =	vmov s16;
	p1 =	sne.s32 s16, $0xF;
	(xrf0) =	vmax.scan.msk.f32 $0xffff, v11  }
0x93: {  	v11 =	vperm.xlane v6, v12;
	vm2 =	veq.s32 v12, v4;
	_ =	sdelay $0x1  }
0x94: {  	v11 =	vsub.f32 v5, v11;
	_ =	sdelay $0x1  }
0x95: {  	v13 =	vperm.xlane v9, v8;
	v8 =	vmov v12;
	v11 =	vmul.f32 v11, v11  }
0x96: {  	v12, _, _ =	vpop (xrf0)  }
0x97: {  	v13 =	vmul.f32 v13, v0;
	(xrf2) =	vadd.scan.msk.f32 $0xffff, v11;
	v12 =	vsub.f32 $0.0e+00, v12;
	_ =	sdelay $0x1  }
0x98: {  	v12 =	vmin.f32 v12, v13  }
0x99: {  	v10 =	vadd.f32 v12, v10;
	_ =	sdelay $0x1  }
0x9a: {  	v12 =	vperm.xlane v10, v2;
	v14 =	vperm.xlane v10, v3;
	_ =	sdelay $0x1  }
0x9b: {  	v12 =	vsel vm0, v13, v12;
	v7 =	vsel vm1, v14, v7;
	vm1 =	vmmov vm2  }
.Ltmp3:
0x9c: {  	v12 =	vmin.f32 v10, v12;
	(pc) =	sbr.rel @p1 .LBB2_9-.Ltmp3, $4  }
0x9d: {  	v11 =	vadd.f32 v11, v12  }
0x9e: {  	v10, _, _ =	vpop (xrf2)  }
0x9f: {  	v11 =	vsub.f32 v10, v11  }
0xa0: {  	s16 =	sadd.s32 $0x1, s16  }
0xa1: {  	(xrf0) =	vmax.scan.msk.f32 $0xffff, v11;
	_ =	sdelay $0x4  }
0xa2: {  	v6 =	vperm.xlane v9, v8  }
0xa3: {  	v8, _, _ =	vpop (xrf0)  }
0xa4: {  	v9 =	vmul.f32 v6, v0;
	v6 =	vsub.f32 $0.0e+00, v8;
	_ =	sdelay $0x1  }
0xa5: {  	v6 =	vmin.f32 v6, v9  }
0xa6: {  	v10 =	vadd.f32 v6, v10;
	_ =	sdelay $0x1  }
0xa7: {  	v6 =	vperm.xlane v10, v3;
	_ =	sdelay $0x1  }
0xa8: {  	v6 =	vsel vm1, v6, v7  }
0xa9: {  	[tilespmem:$0x1B0] =	vst v6  }
0xaa: {  	[spmem:s7] =	stream.linear.scatter [tilespmem:s12], [sflag:$0x1], $0x80, $0x38;
	[tilespmem:$0x240] =	vst v63  }
0xab: {  	_ =	swait.ge [sflag:s10], $0x80  }
0xac: {  	s15 =	sadd.s32 @!p0 s2, s15;
	s16 =	simm.s32 @!p0 $0x0;
	[sflag:s10] =	ssyncset.done $0x0  }
0xad: {  	s17 =	simm.s32 @!p0 $0x180;
	s14 =	sadd.s32 $0x1, s14;
	[sflag:s10] =	ssyncadd.s32 $0xFFFFFF80  }
0xae: {  	[hbm4b:s15+s16] =	stream.linear.scatter @!p0 [tilespmem:s17], [sflag:$0x1], $0x40, $0x38;
	[tilespmem:$0x240] =	vst v63  }
0xaf: {  	p1 =	sne.s32 s14, $0x4F;
	s15 =	simm.s32 @!p0 $0x1  }
.Ltmp4:
0xb0: {  	_ =	swait.ge @!p0 [sflag:s15], $0x40;
	(pc) =	sbr.rel @p1 .LBB2_2-.Ltmp4, $3  }
0xb1: {  	[sflag:s15] =	ssyncset.done @!p0 $0x0  }
0xb2: {  	[sflag:s15] =	ssyncadd.s32 @!p0 $0xFFFFFFC0  }
0xb3: {  	[bflag:$0x0] =	sbarrier.arrive $0xFFFF;
	_ =	sdelay $0x1  }
0xb4: {  	s13 =	sadd.s32 $0x1, s13  }
0xb5: {  	p1 =	sne.s32 s13, s8  }
.Ltmp5:
0xb6: {  	_ = 	snop;
	(pc) =	sbr.rel @p1 .LBB2_1-.Ltmp5, $1  }
0xb7: {  	_ =	sdelay $0x3  }
0xb8: {  	_ =	sfence.sel $0x180000  }
0xb9: {  	[bflag:$0x0] =	sbarrier.arrive $0xFFFF  }
0xba: {  	p0 =	sne.s32 s4, $0x0;
	_ =	strace $0x90000047  }
0xbb: {  	s0 =	sadd.s32 @!p0 $0x100000, s0;
	[bflag:$0x2] =	sbarrier.arrive $0xFFFF  }
0xbc: {  	[sflag:s0] =	ssyncadd.tile.s32 @!p0 $0x1;
	_ =	shalt  }
.Lfunc_end2:
_tile_overlayer_lowered:
.L_overlay_start_2:
0xbd: {  	(tag) =	ssettag $0x2  }
0xbe: {  	s0 =	rddreg [dreg:$0x0];
	s2 =	stileid.u32  }
0xbf: {  	s1 =	rddreg [dreg:$0x1];
	p0 =	sne.s32 s2, $0x0  }
0xc0: {  	s3 =	rddreg [dreg:$0x2];
	[bflag:$0x3] =	sbarrier.arrive $0xFFFF;
	s2 =	simm.s32 @!p0 $0x1C01  }
0xc1: {  	[timem:s3], [sflag:s2] =	dma.local @!p0 [hbm:s0], s1  }
0xc2: {  	s0 =	simm.s32 @!p0 $0x1  }
0xc3: {  	_ =	swait.ge @!p0 [sflag:s0], s1  }
0xc4: {  	s1 =	ssub.s32 @!p0 $0x0, s1;
	[sflag:s0] =	ssyncset.done @!p0 $0x0  }
0xc5: {  	[sflag:s0] =	ssyncadd.s32 @!p0 s1  }
0xc6: {  	[bflag:$0x3] =	sbarrier.arrive $0xFFFF  }
0xc7: {  	_ =	shalt  }

</sc_bundles>
